<compile_context>
chip_gen: v7x
topology: tpu7x:2x2x1
jax: 0.10.2.dev20260603
libtpu: 0.0.44.dev20260713+nightly
codegen_flags: <defaults>
</compile_context>

<pallas_src>
import jax
import jax.numpy as jnp
from jax import lax
from jax.experimental import pallas as pl
from jax.experimental.pallas import tpu as pltpu
from jax.experimental.pallas import tpu_sc as plsc

NUM_CHANNELS = 8
VOCAB_P1 = 1001
EMBED = 128

NC, NS = 2, 16
NW = NC * NS

CH = 64
NBUF = 5
W = 2

TAB_PAD = 8064


def _body(tab_hbm, idx_hbm, out_hbm, tab_sp, idx_all,
          r0, r1, r2, r3, r4, gs0, gs1, gs2, gs3, gs4, ws0, ws1, ws2, ws3, ws4):
    rows = [r0, r1, r2, r3, r4]
    gsem = [gs0, gs1, gs2, gs3, gs4]
    wsem = [ws0, ws1, ws2, ws3, ws4]
    n_ch = idx_all.shape[0] // CH
    sid = lax.axis_index("s")
    wid = sid * NC + lax.axis_index("c")
    row_base = wid * n_ch

    seg = TAB_PAD // NS
    pltpu.sync_copy(tab_hbm.at[pl.ds(sid * seg, seg)],
                    tab_sp.at[pl.ds(sid * seg, seg)])

    pltpu.sync_copy(idx_hbm.at[pl.ds(wid * n_ch * CH, n_ch * CH)], idx_all)

    plsc.subcore_barrier()

    def g_start(g, b):
        pltpu.make_async_copy(tab_sp.at[idx_all.at[pl.ds(g * CH, CH)]],
                              rows[b], gsem[b]).start()

    def g_wait(g, b):
        pltpu.make_async_copy(tab_sp.at[idx_all.at[pl.ds(g * CH, CH)]],
                              rows[b], gsem[b]).wait()

    def w_start(g, b):
        base = pl.multiple_of((row_base + g) * CH, CH)
        pltpu.make_async_copy(rows[b], out_hbm.at[pl.ds(base, CH)], wsem[b]).start()

    def w_wait(g, b):
        base = pl.multiple_of((row_base + g) * CH, CH)
        pltpu.make_async_copy(rows[b], out_hbm.at[pl.ds(base, CH)], wsem[b]).wait()

    for i in range(NBUF):
        g_start(i, i)
        if i >= W:
            g_wait(i - W, i - W)
            w_start(i - W, i - W)

    def outer(q, c):
        g0 = q * NBUF
        for b in range(NBUF):
            g = g0 + b
            w_wait(g - NBUF, b)
            g_start(g, b)
            b2 = (b - W) % NBUF
            g_wait(g - W, b2)
            w_start(g - W, b2)
        return c

    lax.fori_loop(1, n_ch // NBUF, outer, 0)

    for i in range(W):
        g = n_ch - W + i
        b = g % NBUF
        g_wait(g, b)
        w_start(g, b)
    for b in range(NBUF):
        w_wait(n_ch - NBUF + b, b)


def kernel(x, tables):
    B, T, C = x.shape
    n = B * T * C
    n_ch = n // CH // NW
    bias = (jnp.arange(C, dtype=jnp.int32) * VOCAB_P1).reshape(1, 1, C)
    flat_idx = (x.astype(jnp.int32) + bias).reshape(n)
    flat_tab = tables.reshape(-1, EMBED)
    flat_tab = jnp.concatenate(
        [flat_tab, jnp.zeros((TAB_PAD - flat_tab.shape[0], EMBED), jnp.float32)])

    k = pl.kernel(
        _body,
        out_type=jax.ShapeDtypeStruct((n, EMBED), jnp.float32),
        mesh=plsc.VectorSubcoreMesh(core_axis_name="c", subcore_axis_name="s"),
        scratch_types=(
            [pltpu.VMEM_SHARED((TAB_PAD, EMBED), jnp.float32)]
            + [pltpu.VMEM((n // NW,), jnp.int32)]
            + [pltpu.VMEM((CH, EMBED), jnp.float32)] * NBUF
            + [pltpu.SemaphoreType.DMA] * (2 * NBUF)
        ),
    )
    out = k(flat_tab, flat_idx)
    return out.reshape(B, T, C, EMBED)

# --- scband reference (transcript-rebuilt; emitter-appended) ---
"""Pipeline reference for scband-data-processor-4930622456324 (READ-ONLY COPY).

The authoritative reference and input builder live on the scoring server;
editing this copy changes nothing except your own understanding.
"""

import jax, jax.numpy as jnp
import numpy as np

NUM_CHANNELS = 8
VOCAB = 1000
ADD_MASK = 1
EMBED = 128
BATCH = 1024
NUM_EVENTS = 50


def setup_inputs(seed: int = 0) -> dict:
    key = jax.random.key(seed)
    k_idx, k_tab = jax.random.split(key)
    x = jax.random.randint(k_idx, (BATCH, NUM_EVENTS, NUM_CHANNELS), 0, VOCAB, dtype=jnp.int64 if jax.config.jax_enable_x64 else jnp.int32)
    # one embedding table per channel; all channels have vocab+mask rows, so stack them
    tables = jax.random.normal(k_tab, (NUM_CHANNELS, VOCAB + ADD_MASK, EMBED), dtype=jnp.float32)
    return {"x": x, "tables": tables}


def reference(x, tables):
    # DataProcessor.embed: x (..., num_channels) -> (..., num_channels, embedding_size)
    # torch: cat([emb_c(x[..., c:c+1]) for c], dim=-2)
    # x.split(1, dim=-1) keeps a trailing singleton dim, so each embed gives (..., 1, E);
    # concatenating along dim=-2 stacks channels.
    outs = []
    for c in range(NUM_CHANNELS):
        idx = x[..., c]  # (B, T)
        emb = jnp.take(tables[c], idx, axis=0)  # (B, T, E)
        outs.append(emb[..., None, :])  # (B, T, 1, E)
    return jnp.concatenate(outs, axis=-2)  # (B, T, C, E)

if __name__ == "__main__":
    import jax
    _d = setup_inputs()
    print(jax.jit(kernel)(*tuple(_d.values())))

</pallas_src>

<mosaic_0001>
#map = affine_map<(d0, d1) -> (0, 0)>
#map1 = affine_map<(d0, d1) -> (0)>
module attributes {stable_mosaic.version = 14 : i64} {
  func.func @_body(%arg0: i32, %arg1: i32, %arg2: memref<8064x128xf32, #tpu.memory_space<hbm>>, %arg3: memref<409600xi32, #tpu.memory_space<hbm>>, %arg4: memref<409600x128xf32, #tpu.memory_space<hbm>>, %arg5: memref<8064x128xf32, #tpu.memory_space<vmem_shared>>, %arg6: memref<12800xi32, #tpu.memory_space<vmem>>, %arg7: memref<64x128xf32, #tpu.memory_space<vmem>>, %arg8: memref<64x128xf32, #tpu.memory_space<vmem>>, %arg9: memref<64x128xf32, #tpu.memory_space<vmem>>, %arg10: memref<64x128xf32, #tpu.memory_space<vmem>>, %arg11: memref<64x128xf32, #tpu.memory_space<vmem>>, %arg12: memref<!tpu.dma_semaphore, #tpu.memory_space<semaphore_mem>>, %arg13: memref<!tpu.dma_semaphore, #tpu.memory_space<semaphore_mem>>, %arg14: memref<!tpu.dma_semaphore, #tpu.memory_space<semaphore_mem>>, %arg15: memref<!tpu.dma_semaphore, #tpu.memory_space<semaphore_mem>>, %arg16: memref<!tpu.dma_semaphore, #tpu.memory_space<semaphore_mem>>, %arg17: memref<!tpu.dma_semaphore, #tpu.memory_space<semaphore_mem>>, %arg18: memref<!tpu.dma_semaphore, #tpu.memory_space<semaphore_mem>>, %arg19: memref<!tpu.dma_semaphore, #tpu.memory_space<semaphore_mem>>, %arg20: memref<!tpu.dma_semaphore, #tpu.memory_space<semaphore_mem>>, %arg21: memref<!tpu.dma_semaphore, #tpu.memory_space<semaphore_mem>>) attributes {dimension_semantics = [#tpu.dimension_semantics<core_parallel>, #tpu.dimension_semantics<subcore_parallel>], iteration_bounds = array<i64: 2, 16>, scalar_prefetch = 0 : i64, scratch_operands = 17 : i64, tpu.core_type = #tpu.core_type<sc_vector_subcore>, window_params = [{transform_indices = #map}, {transform_indices = #map1}, {transform_indices = #map}]} {
    %mul3A = arith.constant 2 : i32
    %mul3A_0 = arith.muli %arg1, %mul3A : i32
    %add3A = arith.addi %mul3A_0, %arg0 : i32
    %mul3A_1 = arith.constant 200 : i32
    %mul3A_2 = arith.muli %add3A, %mul3A_1 : i32
    %mul3A_3 = arith.constant 504 : i32
    %mul3A_4 = arith.muli %arg1, %mul3A_3 : i32
    %mul3A_5 = arith.constant 504 : i32
    %mul3A_6 = arith.muli %arg1, %mul3A_5 : i32
    "tpu.region"() ({
      %run_scoped3A = tpu.sem_alloc : memref<!tpu.dma_semaphore, #tpu.memory_space<semaphore_mem>>
      %dma_start3A_153 = arith.constant 0 : i32
      %dma_start3A_154 = tpu.memref_slice %arg5[%mul3A_6, %dma_start3A_153] : memref<8064x128xf32, #tpu.memory_space<vmem_shared>> -> memref<504x128xf32, #tpu.memory_space<vmem_shared>>
      %dma_start3A_155 = arith.constant 0 : i32
      %dma_start3A_156 = tpu.memref_slice %arg2[%mul3A_4, %dma_start3A_155] : memref<8064x128xf32, #tpu.memory_space<hbm>> -> memref<504x128xf32, #tpu.memory_space<hbm>>
      tpu.enqueue_dma source(%dma_start3A_156 : memref<504x128xf32, #tpu.memory_space<hbm>>) target(%dma_start3A_154 : memref<504x128xf32, #tpu.memory_space<vmem_shared>>) target_semaphore(%run_scoped3A : memref<!tpu.dma_semaphore, #tpu.memory_space<semaphore_mem>>)
      %dma_wait3A_157 = arith.constant 0 : i32
      %dma_wait3A_158 = tpu.memref_slice %arg5[%mul3A_6, %dma_wait3A_157] : memref<8064x128xf32, #tpu.memory_space<vmem_shared>> -> memref<504x128xf32, #tpu.memory_space<vmem_shared>>
      %dma_wait3A_159 = arith.constant 0 : i32
      %dma_wait3A_160 = tpu.memref_slice %arg2[%mul3A_4, %dma_wait3A_159] : memref<8064x128xf32, #tpu.memory_space<hbm>> -> memref<504x128xf32, #tpu.memory_space<hbm>>
      tpu.wait_dma2 semaphore(%run_scoped3A : memref<!tpu.dma_semaphore, #tpu.memory_space<semaphore_mem>>) src(%dma_wait3A_160 : memref<504x128xf32, #tpu.memory_space<hbm>>) dst(%dma_wait3A_158 : memref<504x128xf32, #tpu.memory_space<vmem_shared>>)
      tpu.yield
    }) : () -> ()
    %mul3A_7 = arith.constant 200 : i32
    %mul3A_8 = arith.muli %add3A, %mul3A_7 : i32
    %mul3A_9 = arith.constant 64 : i32
    %mul3A_10 = arith.muli %mul3A_8, %mul3A_9 : i32
    "tpu.region"() ({
      %run_scoped3A = tpu.sem_alloc : memref<!tpu.dma_semaphore, #tpu.memory_space<semaphore_mem>>
      %dma_start3A_153 = tpu.memref_slice %arg3[%mul3A_10] : memref<409600xi32, #tpu.memory_space<hbm>> -> memref<12800xi32, #tpu.memory_space<hbm>>
      %dma_start3A_154 = tpu.memref_slice %arg3[%mul3A_10] : memref<409600xi32, #tpu.memory_space<hbm>> -> memref<12800xi32, #tpu.memory_space<hbm>>
      tpu.enqueue_dma source(%dma_start3A_154 : memref<12800xi32, #tpu.memory_space<hbm>>) target(%arg6 : memref<12800xi32, #tpu.memory_space<vmem>>) target_semaphore(%run_scoped3A : memref<!tpu.dma_semaphore, #tpu.memory_space<semaphore_mem>>)
      %dma_wait3A_155 = tpu.memref_slice %arg3[%mul3A_10] : memref<409600xi32, #tpu.memory_space<hbm>> -> memref<12800xi32, #tpu.memory_space<hbm>>
      %dma_wait3A_156 = tpu.memref_slice %arg3[%mul3A_10] : memref<409600xi32, #tpu.memory_space<hbm>> -> memref<12800xi32, #tpu.memory_space<hbm>>
      tpu.wait_dma2 semaphore(%run_scoped3A : memref<!tpu.dma_semaphore, #tpu.memory_space<semaphore_mem>>) src(%dma_wait3A_156 : memref<12800xi32, #tpu.memory_space<hbm>>) dst(%arg6 : memref<12800xi32, #tpu.memory_space<vmem>>)
      tpu.yield
    }) : () -> ()
    %barrier3A = arith.constant 0 : index
    tpu.barrier barrier_id(%barrier3A)
    %dma_start3A = arith.constant 0 : i32
    %dma_start3A_11 = tpu.memref_slice %arg6[%dma_start3A] : memref<12800xi32, #tpu.memory_space<vmem>> -> memref<64xi32, #tpu.memory_space<vmem>>
    %dma_start3A_12 = arith.constant 0 : i32
    %dma_start3A_13 = arith.constant 0 : i32
    %dma_start3A_14 = tpu.memref_slice %arg5[%dma_start3A_12, %dma_start3A_13] : memref<8064x128xf32, #tpu.memory_space<vmem_shared>> -> memref<8064x128xf32, #tpu.memory_space<vmem_shared>>
    tpu.enqueue_indirect_dma source(%dma_start3A_14 : memref<8064x128xf32, #tpu.memory_space<vmem_shared>>) target(%arg7 : memref<64x128xf32, #tpu.memory_space<vmem>>) offsets(%dma_start3A_11 : memref<64xi32, #tpu.memory_space<vmem>>) semaphore(%arg12 : memref<!tpu.dma_semaphore, #tpu.memory_space<semaphore_mem>>)
    %dma_start3A_15 = arith.constant 64 : i32
    %dma_start3A_16 = tpu.memref_slice %arg6[%dma_start3A_15] : memref<12800xi32, #tpu.memory_space<vmem>> -> memref<64xi32, #tpu.memory_space<vmem>>
    %dma_start3A_17 = arith.constant 0 : i32
    %dma_start3A_18 = arith.constant 0 : i32
    %dma_start3A_19 = tpu.memref_slice %arg5[%dma_start3A_17, %dma_start3A_18] : memref<8064x128xf32, #tpu.memory_space<vmem_shared>> -> memref<8064x128xf32, #tpu.memory_space<vmem_shared>>
    tpu.enqueue_indirect_dma source(%dma_start3A_19 : memref<8064x128xf32, #tpu.memory_space<vmem_shared>>) target(%arg8 : memref<64x128xf32, #tpu.memory_space<vmem>>) offsets(%dma_start3A_16 : memref<64xi32, #tpu.memory_space<vmem>>) semaphore(%arg13 : memref<!tpu.dma_semaphore, #tpu.memory_space<semaphore_mem>>)
    %dma_start3A_20 = arith.constant 128 : i32
    %dma_start3A_21 = tpu.memref_slice %arg6[%dma_start3A_20] : memref<12800xi32, #tpu.memory_space<vmem>> -> memref<64xi32, #tpu.memory_space<vmem>>
    %dma_start3A_22 = arith.constant 0 : i32
    %dma_start3A_23 = arith.constant 0 : i32
    %dma_start3A_24 = tpu.memref_slice %arg5[%dma_start3A_22, %dma_start3A_23] : memref<8064x128xf32, #tpu.memory_space<vmem_shared>> -> memref<8064x128xf32, #tpu.memory_space<vmem_shared>>
    tpu.enqueue_indirect_dma source(%dma_start3A_24 : memref<8064x128xf32, #tpu.memory_space<vmem_shared>>) target(%arg9 : memref<64x128xf32, #tpu.memory_space<vmem>>) offsets(%dma_start3A_21 : memref<64xi32, #tpu.memory_space<vmem>>) semaphore(%arg14 : memref<!tpu.dma_semaphore, #tpu.memory_space<semaphore_mem>>)
    %dma_wait3A = arith.constant 0 : i32
    %dma_wait3A_25 = tpu.memref_slice %arg6[%dma_wait3A] : memref<12800xi32, #tpu.memory_space<vmem>> -> memref<64xi32, #tpu.memory_space<vmem>>
    %dma_wait3A_26 = arith.constant 0 : i32
    %dma_wait3A_27 = arith.constant 0 : i32
    %dma_wait3A_28 = tpu.memref_slice %arg5[%dma_wait3A_26, %dma_wait3A_27] : memref<8064x128xf32, #tpu.memory_space<vmem_shared>> -> memref<8064x128xf32, #tpu.memory_space<vmem_shared>>
    tpu.wait_indirect_dma semaphore(%arg12 : memref<!tpu.dma_semaphore, #tpu.memory_space<semaphore_mem>>) src(%dma_wait3A_28 : memref<8064x128xf32, #tpu.memory_space<vmem_shared>>) dst(%arg7 : memref<64x128xf32, #tpu.memory_space<vmem>>)
    %add3A_29 = arith.constant 0 : i32
    %add3A_30 = arith.addi %mul3A_2, %add3A_29 : i32
    %mul3A_31 = arith.constant 64 : i32
    %mul3A_32 = arith.muli %add3A_30, %mul3A_31 : i32
    %multiple_of3A = tpu.assume_multiple %mul3A_32, 64 : i32
    %dma_start3A_33 = arith.constant 0 : i32
    %dma_start3A_34 = tpu.memref_slice %arg4[%multiple_of3A, %dma_start3A_33] : memref<409600x128xf32, #tpu.memory_space<hbm>> -> memref<64x128xf32, #tpu.memory_space<hbm>>
    %dma_start3A_35 = arith.constant 0 : i32
    %dma_start3A_36 = tpu.memref_slice %arg4[%multiple_of3A, %dma_start3A_35] : memref<409600x128xf32, #tpu.memory_space<hbm>> -> memref<64x128xf32, #tpu.memory_space<hbm>>
    tpu.enqueue_dma source(%arg7 : memref<64x128xf32, #tpu.memory_space<vmem>>) target(%dma_start3A_36 : memref<64x128xf32, #tpu.memory_space<hbm>>) target_semaphore(%arg17 : memref<!tpu.dma_semaphore, #tpu.memory_space<semaphore_mem>>)
    %dma_start3A_37 = arith.constant 192 : i32
    %dma_start3A_38 = tpu.memref_slice %arg6[%dma_start3A_37] : memref<12800xi32, #tpu.memory_space<vmem>> -> memref<64xi32, #tpu.memory_space<vmem>>
    %dma_start3A_39 = arith.constant 0 : i32
    %dma_start3A_40 = arith.constant 0 : i32
    %dma_start3A_41 = tpu.memref_slice %arg5[%dma_start3A_39, %dma_start3A_40] : memref<8064x128xf32, #tpu.memory_space<vmem_shared>> -> memref<8064x128xf32, #tpu.memory_space<vmem_shared>>
    tpu.enqueue_indirect_dma source(%dma_start3A_41 : memref<8064x128xf32, #tpu.memory_space<vmem_shared>>) target(%arg10 : memref<64x128xf32, #tpu.memory_space<vmem>>) offsets(%dma_start3A_38 : memref<64xi32, #tpu.memory_space<vmem>>) semaphore(%arg15 : memref<!tpu.dma_semaphore, #tpu.memory_space<semaphore_mem>>)
    %dma_wait3A_42 = arith.constant 64 : i32
    %dma_wait3A_43 = tpu.memref_slice %arg6[%dma_wait3A_42] : memref<12800xi32, #tpu.memory_space<vmem>> -> memref<64xi32, #tpu.memory_space<vmem>>
    %dma_wait3A_44 = arith.constant 0 : i32
    %dma_wait3A_45 = arith.constant 0 : i32
    %dma_wait3A_46 = tpu.memref_slice %arg5[%dma_wait3A_44, %dma_wait3A_45] : memref<8064x128xf32, #tpu.memory_space<vmem_shared>> -> memref<8064x128xf32, #tpu.memory_space<vmem_shared>>
    tpu.wait_indirect_dma semaphore(%arg13 : memref<!tpu.dma_semaphore, #tpu.memory_space<semaphore_mem>>) src(%dma_wait3A_46 : memref<8064x128xf32, #tpu.memory_space<vmem_shared>>) dst(%arg8 : memref<64x128xf32, #tpu.memory_space<vmem>>)
    %add3A_47 = arith.constant 1 : i32
    %add3A_48 = arith.addi %mul3A_2, %add3A_47 : i32
    %mul3A_49 = arith.constant 64 : i32
    %mul3A_50 = arith.muli %add3A_48, %mul3A_49 : i32
    %multiple_of3A_51 = tpu.assume_multiple %mul3A_50, 64 : i32
    %dma_start3A_52 = arith.constant 0 : i32
    %dma_start3A_53 = tpu.memref_slice %arg4[%multiple_of3A_51, %dma_start3A_52] : memref<409600x128xf32, #tpu.memory_space<hbm>> -> memref<64x128xf32, #tpu.memory_space<hbm>>
    %dma_start3A_54 = arith.constant 0 : i32
    %dma_start3A_55 = tpu.memref_slice %arg4[%multiple_of3A_51, %dma_start3A_54] : memref<409600x128xf32, #tpu.memory_space<hbm>> -> memref<64x128xf32, #tpu.memory_space<hbm>>
    tpu.enqueue_dma source(%arg8 : memref<64x128xf32, #tpu.memory_space<vmem>>) target(%dma_start3A_55 : memref<64x128xf32, #tpu.memory_space<hbm>>) target_semaphore(%arg18 : memref<!tpu.dma_semaphore, #tpu.memory_space<semaphore_mem>>)
    %dma_start3A_56 = arith.constant 256 : i32
    %dma_start3A_57 = tpu.memref_slice %arg6[%dma_start3A_56] : memref<12800xi32, #tpu.memory_space<vmem>> -> memref<64xi32, #tpu.memory_space<vmem>>
    %dma_start3A_58 = arith.constant 0 : i32
    %dma_start3A_59 = arith.constant 0 : i32
    %dma_start3A_60 = tpu.memref_slice %arg5[%dma_start3A_58, %dma_start3A_59] : memref<8064x128xf32, #tpu.memory_space<vmem_shared>> -> memref<8064x128xf32, #tpu.memory_space<vmem_shared>>
    tpu.enqueue_indirect_dma source(%dma_start3A_60 : memref<8064x128xf32, #tpu.memory_space<vmem_shared>>) target(%arg11 : memref<64x128xf32, #tpu.memory_space<vmem>>) offsets(%dma_start3A_57 : memref<64xi32, #tpu.memory_space<vmem>>) semaphore(%arg16 : memref<!tpu.dma_semaphore, #tpu.memory_space<semaphore_mem>>)
    %dma_wait3A_61 = arith.constant 128 : i32
    %dma_wait3A_62 = tpu.memref_slice %arg6[%dma_wait3A_61] : memref<12800xi32, #tpu.memory_space<vmem>> -> memref<64xi32, #tpu.memory_space<vmem>>
    %dma_wait3A_63 = arith.constant 0 : i32
    %dma_wait3A_64 = arith.constant 0 : i32
    %dma_wait3A_65 = tpu.memref_slice %arg5[%dma_wait3A_63, %dma_wait3A_64] : memref<8064x128xf32, #tpu.memory_space<vmem_shared>> -> memref<8064x128xf32, #tpu.memory_space<vmem_shared>>
    tpu.wait_indirect_dma semaphore(%arg14 : memref<!tpu.dma_semaphore, #tpu.memory_space<semaphore_mem>>) src(%dma_wait3A_65 : memref<8064x128xf32, #tpu.memory_space<vmem_shared>>) dst(%arg9 : memref<64x128xf32, #tpu.memory_space<vmem>>)
    %add3A_66 = arith.constant 2 : i32
    %add3A_67 = arith.addi %mul3A_2, %add3A_66 : i32
    %mul3A_68 = arith.constant 64 : i32
    %mul3A_69 = arith.muli %add3A_67, %mul3A_68 : i32
    %multiple_of3A_70 = tpu.assume_multiple %mul3A_69, 64 : i32
    %dma_start3A_71 = arith.constant 0 : i32
    %dma_start3A_72 = tpu.memref_slice %arg4[%multiple_of3A_70, %dma_start3A_71] : memref<409600x128xf32, #tpu.memory_space<hbm>> -> memref<64x128xf32, #tpu.memory_space<hbm>>
    %dma_start3A_73 = arith.constant 0 : i32
    %dma_start3A_74 = tpu.memref_slice %arg4[%multiple_of3A_70, %dma_start3A_73] : memref<409600x128xf32, #tpu.memory_space<hbm>> -> memref<64x128xf32, #tpu.memory_space<hbm>>
    tpu.enqueue_dma source(%arg9 : memref<64x128xf32, #tpu.memory_space<vmem>>) target(%dma_start3A_74 : memref<64x128xf32, #tpu.memory_space<hbm>>) target_semaphore(%arg19 : memref<!tpu.dma_semaphore, #tpu.memory_space<semaphore_mem>>)
    %scan3A = arith.constant 0 : i32
    %scan3A_75 = arith.constant 1 : i32
    %scan3A_76 = arith.constant 39 : i32
    %scan3A_77 = arith.addi %scan3A_75, %scan3A_76 : i32
    %scan3A_78 = arith.constant 1 : i32
    scf.for %scan3A_153 = %scan3A_75 to %scan3A_77 step %scan3A_78  : i32 {
      %mul3A_154 = arith.constant 5 : i32
      %mul3A_155 = arith.muli %scan3A_153, %mul3A_154 : i32
      %add3A_156 = arith.constant 0 : i32
      %add3A_157 = arith.addi %mul3A_155, %add3A_156 : i32
      %sub3A = arith.constant 5 : i32
      %sub3A_158 = arith.subi %add3A_157, %sub3A : i32
      %add3A_159 = arith.addi %mul3A_2, %sub3A_158 : i32
      %mul3A_160 = arith.constant 64 : i32
      %mul3A_161 = arith.muli %add3A_159, %mul3A_160 : i32
      %multiple_of3A_162 = tpu.assume_multiple %mul3A_161, 64 : i32
      %dma_wait3A_163 = arith.constant 0 : i32
      %dma_wait3A_164 = tpu.memref_slice %arg4[%multiple_of3A_162, %dma_wait3A_163] : memref<409600x128xf32, #tpu.memory_space<hbm>> -> memref<64x128xf32, #tpu.memory_space<hbm>>
      %dma_wait3A_165 = arith.constant 0 : i32
      %dma_wait3A_166 = tpu.memref_slice %arg4[%multiple_of3A_162, %dma_wait3A_165] : memref<409600x128xf32, #tpu.memory_space<hbm>> -> memref<64x128xf32, #tpu.memory_space<hbm>>
      tpu.wait_dma2 semaphore(%arg17 : memref<!tpu.dma_semaphore, #tpu.memory_space<semaphore_mem>>) src(%arg7 : memref<64x128xf32, #tpu.memory_space<vmem>>) dst(%dma_wait3A_166 : memref<64x128xf32, #tpu.memory_space<hbm>>)
      %mul3A_167 = arith.constant 64 : i32
      %mul3A_168 = arith.muli %add3A_157, %mul3A_167 : i32
      %dma_start3A_169 = tpu.memref_slice %arg6[%mul3A_168] : memref<12800xi32, #tpu.memory_space<vmem>> -> memref<64xi32, #tpu.memory_space<vmem>>
      %dma_start3A_170 = arith.constant 0 : i32
      %dma_start3A_171 = arith.constant 0 : i32
      %dma_start3A_172 = tpu.memref_slice %arg5[%dma_start3A_170, %dma_start3A_171] : memref<8064x128xf32, #tpu.memory_space<vmem_shared>> -> memref<8064x128xf32, #tpu.memory_space<vmem_shared>>
      tpu.enqueue_indirect_dma source(%dma_start3A_172 : memref<8064x128xf32, #tpu.memory_space<vmem_shared>>) target(%arg7 : memref<64x128xf32, #tpu.memory_space<vmem>>) offsets(%dma_start3A_169 : memref<64xi32, #tpu.memory_space<vmem>>) semaphore(%arg12 : memref<!tpu.dma_semaphore, #tpu.memory_space<semaphore_mem>>)
      %sub3A_173 = arith.constant 2 : i32
      %sub3A_174 = arith.subi %add3A_157, %sub3A_173 : i32
      %mul3A_175 = arith.constant 64 : i32
      %mul3A_176 = arith.muli %sub3A_174, %mul3A_175 : i32
      %dma_wait3A_177 = tpu.memref_slice %arg6[%mul3A_176] : memref<12800xi32, #tpu.memory_space<vmem>> -> memref<64xi32, #tpu.memory_space<vmem>>
      %dma_wait3A_178 = arith.constant 0 : i32
      %dma_wait3A_179 = arith.constant 0 : i32
      %dma_wait3A_180 = tpu.memref_slice %arg5[%dma_wait3A_178, %dma_wait3A_179] : memref<8064x128xf32, #tpu.memory_space<vmem_shared>> -> memref<8064x128xf32, #tpu.memory_space<vmem_shared>>
      tpu.wait_indirect_dma semaphore(%arg15 : memref<!tpu.dma_semaphore, #tpu.memory_space<semaphore_mem>>) src(%dma_wait3A_180 : memref<8064x128xf32, #tpu.memory_space<vmem_shared>>) dst(%arg10 : memref<64x128xf32, #tpu.memory_space<vmem>>)
      %sub3A_181 = arith.constant 2 : i32
      %sub3A_182 = arith.subi %add3A_157, %sub3A_181 : i32
      %add3A_183 = arith.addi %mul3A_2, %sub3A_182 : i32
      %mul3A_184 = arith.constant 64 : i32
      %mul3A_185 = arith.muli %add3A_183, %mul3A_184 : i32
      %multiple_of3A_186 = tpu.assume_multiple %mul3A_185, 64 : i32
      %dma_start3A_187 = arith.constant 0 : i32
      %dma_start3A_188 = tpu.memref_slice %arg4[%multiple_of3A_186, %dma_start3A_187] : memref<409600x128xf32, #tpu.memory_space<hbm>> -> memref<64x128xf32, #tpu.memory_space<hbm>>
      %dma_start3A_189 = arith.constant 0 : i32
      %dma_start3A_190 = tpu.memref_slice %arg4[%multiple_of3A_186, %dma_start3A_189] : memref<409600x128xf32, #tpu.memory_space<hbm>> -> memref<64x128xf32, #tpu.memory_space<hbm>>
      tpu.enqueue_dma source(%arg10 : memref<64x128xf32, #tpu.memory_space<vmem>>) target(%dma_start3A_190 : memref<64x128xf32, #tpu.memory_space<hbm>>) target_semaphore(%arg20 : memref<!tpu.dma_semaphore, #tpu.memory_space<semaphore_mem>>)
      %add3A_191 = arith.constant 1 : i32
      %add3A_192 = arith.addi %mul3A_155, %add3A_191 : i32
      %sub3A_193 = arith.constant 5 : i32
      %sub3A_194 = arith.subi %add3A_192, %sub3A_193 : i32
      %add3A_195 = arith.addi %mul3A_2, %sub3A_194 : i32
      %mul3A_196 = arith.constant 64 : i32
      %mul3A_197 = arith.muli %add3A_195, %mul3A_196 : i32
      %multiple_of3A_198 = tpu.assume_multiple %mul3A_197, 64 : i32
      %dma_wait3A_199 = arith.constant 0 : i32
      %dma_wait3A_200 = tpu.memref_slice %arg4[%multiple_of3A_198, %dma_wait3A_199] : memref<409600x128xf32, #tpu.memory_space<hbm>> -> memref<64x128xf32, #tpu.memory_space<hbm>>
      %dma_wait3A_201 = arith.constant 0 : i32
      %dma_wait3A_202 = tpu.memref_slice %arg4[%multiple_of3A_198, %dma_wait3A_201] : memref<409600x128xf32, #tpu.memory_space<hbm>> -> memref<64x128xf32, #tpu.memory_space<hbm>>
      tpu.wait_dma2 semaphore(%arg18 : memref<!tpu.dma_semaphore, #tpu.memory_space<semaphore_mem>>) src(%arg8 : memref<64x128xf32, #tpu.memory_space<vmem>>) dst(%dma_wait3A_202 : memref<64x128xf32, #tpu.memory_space<hbm>>)
      %mul3A_203 = arith.constant 64 : i32
      %mul3A_204 = arith.muli %add3A_192, %mul3A_203 : i32
      %dma_start3A_205 = tpu.memref_slice %arg6[%mul3A_204] : memref<12800xi32, #tpu.memory_space<vmem>> -> memref<64xi32, #tpu.memory_space<vmem>>
      %dma_start3A_206 = arith.constant 0 : i32
      %dma_start3A_207 = arith.constant 0 : i32
      %dma_start3A_208 = tpu.memref_slice %arg5[%dma_start3A_206, %dma_start3A_207] : memref<8064x128xf32, #tpu.memory_space<vmem_shared>> -> memref<8064x128xf32, #tpu.memory_space<vmem_shared>>
      tpu.enqueue_indirect_dma source(%dma_start3A_208 : memref<8064x128xf32, #tpu.memory_space<vmem_shared>>) target(%arg8 : memref<64x128xf32, #tpu.memory_space<vmem>>) offsets(%dma_start3A_205 : memref<64xi32, #tpu.memory_space<vmem>>) semaphore(%arg13 : memref<!tpu.dma_semaphore, #tpu.memory_space<semaphore_mem>>)
      %sub3A_209 = arith.constant 2 : i32
      %sub3A_210 = arith.subi %add3A_192, %sub3A_209 : i32
      %mul3A_211 = arith.constant 64 : i32
      %mul3A_212 = arith.muli %sub3A_210, %mul3A_211 : i32
      %dma_wait3A_213 = tpu.memref_slice %arg6[%mul3A_212] : memref<12800xi32, #tpu.memory_space<vmem>> -> memref<64xi32, #tpu.memory_space<vmem>>
      %dma_wait3A_214 = arith.constant 0 : i32
      %dma_wait3A_215 = arith.constant 0 : i32
      %dma_wait3A_216 = tpu.memref_slice %arg5[%dma_wait3A_214, %dma_wait3A_215] : memref<8064x128xf32, #tpu.memory_space<vmem_shared>> -> memref<8064x128xf32, #tpu.memory_space<vmem_shared>>
      tpu.wait_indirect_dma semaphore(%arg16 : memref<!tpu.dma_semaphore, #tpu.memory_space<semaphore_mem>>) src(%dma_wait3A_216 : memref<8064x128xf32, #tpu.memory_space<vmem_shared>>) dst(%arg11 : memref<64x128xf32, #tpu.memory_space<vmem>>)
      %sub3A_217 = arith.constant 2 : i32
      %sub3A_218 = arith.subi %add3A_192, %sub3A_217 : i32
      %add3A_219 = arith.addi %mul3A_2, %sub3A_218 : i32
      %mul3A_220 = arith.constant 64 : i32
      %mul3A_221 = arith.muli %add3A_219, %mul3A_220 : i32
      %multiple_of3A_222 = tpu.assume_multiple %mul3A_221, 64 : i32
      %dma_start3A_223 = arith.constant 0 : i32
      %dma_start3A_224 = tpu.memref_slice %arg4[%multiple_of3A_222, %dma_start3A_223] : memref<409600x128xf32, #tpu.memory_space<hbm>> -> memref<64x128xf32, #tpu.memory_space<hbm>>
      %dma_start3A_225 = arith.constant 0 : i32
      %dma_start3A_226 = tpu.memref_slice %arg4[%multiple_of3A_222, %dma_start3A_225] : memref<409600x128xf32, #tpu.memory_space<hbm>> -> memref<64x128xf32, #tpu.memory_space<hbm>>
      tpu.enqueue_dma source(%arg11 : memref<64x128xf32, #tpu.memory_space<vmem>>) target(%dma_start3A_226 : memref<64x128xf32, #tpu.memory_space<hbm>>) target_semaphore(%arg21 : memref<!tpu.dma_semaphore, #tpu.memory_space<semaphore_mem>>)
      %add3A_227 = arith.constant 2 : i32
      %add3A_228 = arith.addi %mul3A_155, %add3A_227 : i32
      %sub3A_229 = arith.constant 5 : i32
      %sub3A_230 = arith.subi %add3A_228, %sub3A_229 : i32
      %add3A_231 = arith.addi %mul3A_2, %sub3A_230 : i32
      %mul3A_232 = arith.constant 64 : i32
      %mul3A_233 = arith.muli %add3A_231, %mul3A_232 : i32
      %multiple_of3A_234 = tpu.assume_multiple %mul3A_233, 64 : i32
      %dma_wait3A_235 = arith.constant 0 : i32
      %dma_wait3A_236 = tpu.memref_slice %arg4[%multiple_of3A_234, %dma_wait3A_235] : memref<409600x128xf32, #tpu.memory_space<hbm>> -> memref<64x128xf32, #tpu.memory_space<hbm>>
      %dma_wait3A_237 = arith.constant 0 : i32
      %dma_wait3A_238 = tpu.memref_slice %arg4[%multiple_of3A_234, %dma_wait3A_237] : memref<409600x128xf32, #tpu.memory_space<hbm>> -> memref<64x128xf32, #tpu.memory_space<hbm>>
      tpu.wait_dma2 semaphore(%arg19 : memref<!tpu.dma_semaphore, #tpu.memory_space<semaphore_mem>>) src(%arg9 : memref<64x128xf32, #tpu.memory_space<vmem>>) dst(%dma_wait3A_238 : memref<64x128xf32, #tpu.memory_space<hbm>>)
      %mul3A_239 = arith.constant 64 : i32
      %mul3A_240 = arith.muli %add3A_228, %mul3A_239 : i32
      %dma_start3A_241 = tpu.memref_slice %arg6[%mul3A_240] : memref<12800xi32, #tpu.memory_space<vmem>> -> memref<64xi32, #tpu.memory_space<vmem>>
      %dma_start3A_242 = arith.constant 0 : i32
      %dma_start3A_243 = arith.constant 0 : i32
      %dma_start3A_244 = tpu.memref_slice %arg5[%dma_start3A_242, %dma_start3A_243] : memref<8064x128xf32, #tpu.memory_space<vmem_shared>> -> memref<8064x128xf32, #tpu.memory_space<vmem_shared>>
      tpu.enqueue_indirect_dma source(%dma_start3A_244 : memref<8064x128xf32, #tpu.memory_space<vmem_shared>>) target(%arg9 : memref<64x128xf32, #tpu.memory_space<vmem>>) offsets(%dma_start3A_241 : memref<64xi32, #tpu.memory_space<vmem>>) semaphore(%arg14 : memref<!tpu.dma_semaphore, #tpu.memory_space<semaphore_mem>>)
      %sub3A_245 = arith.constant 2 : i32
      %sub3A_246 = arith.subi %add3A_228, %sub3A_245 : i32
      %mul3A_247 = arith.constant 64 : i32
      %mul3A_248 = arith.muli %sub3A_246, %mul3A_247 : i32
      %dma_wait3A_249 = tpu.memref_slice %arg6[%mul3A_248] : memref<12800xi32, #tpu.memory_space<vmem>> -> memref<64xi32, #tpu.memory_space<vmem>>
      %dma_wait3A_250 = arith.constant 0 : i32
      %dma_wait3A_251 = arith.constant 0 : i32
      %dma_wait3A_252 = tpu.memref_slice %arg5[%dma_wait3A_250, %dma_wait3A_251] : memref<8064x128xf32, #tpu.memory_space<vmem_shared>> -> memref<8064x128xf32, #tpu.memory_space<vmem_shared>>
      tpu.wait_indirect_dma semaphore(%arg12 : memref<!tpu.dma_semaphore, #tpu.memory_space<semaphore_mem>>) src(%dma_wait3A_252 : memref<8064x128xf32, #tpu.memory_space<vmem_shared>>) dst(%arg7 : memref<64x128xf32, #tpu.memory_space<vmem>>)
      %sub3A_253 = arith.constant 2 : i32
      %sub3A_254 = arith.subi %add3A_228, %sub3A_253 : i32
      %add3A_255 = arith.addi %mul3A_2, %sub3A_254 : i32
      %mul3A_256 = arith.constant 64 : i32
      %mul3A_257 = arith.muli %add3A_255, %mul3A_256 : i32
      %multiple_of3A_258 = tpu.assume_multiple %mul3A_257, 64 : i32
      %dma_start3A_259 = arith.constant 0 : i32
      %dma_start3A_260 = tpu.memref_slice %arg4[%multiple_of3A_258, %dma_start3A_259] : memref<409600x128xf32, #tpu.memory_space<hbm>> -> memref<64x128xf32, #tpu.memory_space<hbm>>
      %dma_start3A_261 = arith.constant 0 : i32
      %dma_start3A_262 = tpu.memref_slice %arg4[%multiple_of3A_258, %dma_start3A_261] : memref<409600x128xf32, #tpu.memory_space<hbm>> -> memref<64x128xf32, #tpu.memory_space<hbm>>
      tpu.enqueue_dma source(%arg7 : memref<64x128xf32, #tpu.memory_space<vmem>>) target(%dma_start3A_262 : memref<64x128xf32, #tpu.memory_space<hbm>>) target_semaphore(%arg17 : memref<!tpu.dma_semaphore, #tpu.memory_space<semaphore_mem>>)
      %add3A_263 = arith.constant 3 : i32
      %add3A_264 = arith.addi %mul3A_155, %add3A_263 : i32
      %sub3A_265 = arith.constant 5 : i32
      %sub3A_266 = arith.subi %add3A_264, %sub3A_265 : i32
      %add3A_267 = arith.addi %mul3A_2, %sub3A_266 : i32
      %mul3A_268 = arith.constant 64 : i32
      %mul3A_269 = arith.muli %add3A_267, %mul3A_268 : i32
      %multiple_of3A_270 = tpu.assume_multiple %mul3A_269, 64 : i32
      %dma_wait3A_271 = arith.constant 0 : i32
      %dma_wait3A_272 = tpu.memref_slice %arg4[%multiple_of3A_270, %dma_wait3A_271] : memref<409600x128xf32, #tpu.memory_space<hbm>> -> memref<64x128xf32, #tpu.memory_space<hbm>>
      %dma_wait3A_273 = arith.constant 0 : i32
      %dma_wait3A_274 = tpu.memref_slice %arg4[%multiple_of3A_270, %dma_wait3A_273] : memref<409600x128xf32, #tpu.memory_space<hbm>> -> memref<64x128xf32, #tpu.memory_space<hbm>>
      tpu.wait_dma2 semaphore(%arg20 : memref<!tpu.dma_semaphore, #tpu.memory_space<semaphore_mem>>) src(%arg10 : memref<64x128xf32, #tpu.memory_space<vmem>>) dst(%dma_wait3A_274 : memref<64x128xf32, #tpu.memory_space<hbm>>)
      %mul3A_275 = arith.constant 64 : i32
      %mul3A_276 = arith.muli %add3A_264, %mul3A_275 : i32
      %dma_start3A_277 = tpu.memref_slice %arg6[%mul3A_276] : memref<12800xi32, #tpu.memory_space<vmem>> -> memref<64xi32, #tpu.memory_space<vmem>>
      %dma_start3A_278 = arith.constant 0 : i32
      %dma_start3A_279 = arith.constant 0 : i32
      %dma_start3A_280 = tpu.memref_slice %arg5[%dma_start3A_278, %dma_start3A_279] : memref<8064x128xf32, #tpu.memory_space<vmem_shared>> -> memref<8064x128xf32, #tpu.memory_space<vmem_shared>>
      tpu.enqueue_indirect_dma source(%dma_start3A_280 : memref<8064x128xf32, #tpu.memory_space<vmem_shared>>) target(%arg10 : memref<64x128xf32, #tpu.memory_space<vmem>>) offsets(%dma_start3A_277 : memref<64xi32, #tpu.memory_space<vmem>>) semaphore(%arg15 : memref<!tpu.dma_semaphore, #tpu.memory_space<semaphore_mem>>)
      %sub3A_281 = arith.constant 2 : i32
      %sub3A_282 = arith.subi %add3A_264, %sub3A_281 : i32
      %mul3A_283 = arith.constant 64 : i32
      %mul3A_284 = arith.muli %sub3A_282, %mul3A_283 : i32
      %dma_wait3A_285 = tpu.memref_slice %arg6[%mul3A_284] : memref<12800xi32, #tpu.memory_space<vmem>> -> memref<64xi32, #tpu.memory_space<vmem>>
      %dma_wait3A_286 = arith.constant 0 : i32
      %dma_wait3A_287 = arith.constant 0 : i32
      %dma_wait3A_288 = tpu.memref_slice %arg5[%dma_wait3A_286, %dma_wait3A_287] : memref<8064x128xf32, #tpu.memory_space<vmem_shared>> -> memref<8064x128xf32, #tpu.memory_space<vmem_shared>>
      tpu.wait_indirect_dma semaphore(%arg13 : memref<!tpu.dma_semaphore, #tpu.memory_space<semaphore_mem>>) src(%dma_wait3A_288 : memref<8064x128xf32, #tpu.memory_space<vmem_shared>>) dst(%arg8 : memref<64x128xf32, #tpu.memory_space<vmem>>)
      %sub3A_289 = arith.constant 2 : i32
      %sub3A_290 = arith.subi %add3A_264, %sub3A_289 : i32
      %add3A_291 = arith.addi %mul3A_2, %sub3A_290 : i32
      %mul3A_292 = arith.constant 64 : i32
      %mul3A_293 = arith.muli %add3A_291, %mul3A_292 : i32
      %multiple_of3A_294 = tpu.assume_multiple %mul3A_293, 64 : i32
      %dma_start3A_295 = arith.constant 0 : i32
      %dma_start3A_296 = tpu.memref_slice %arg4[%multiple_of3A_294, %dma_start3A_295] : memref<409600x128xf32, #tpu.memory_space<hbm>> -> memref<64x128xf32, #tpu.memory_space<hbm>>
      %dma_start3A_297 = arith.constant 0 : i32
      %dma_start3A_298 = tpu.memref_slice %arg4[%multiple_of3A_294, %dma_start3A_297] : memref<409600x128xf32, #tpu.memory_space<hbm>> -> memref<64x128xf32, #tpu.memory_space<hbm>>
      tpu.enqueue_dma source(%arg8 : memref<64x128xf32, #tpu.memory_space<vmem>>) target(%dma_start3A_298 : memref<64x128xf32, #tpu.memory_space<hbm>>) target_semaphore(%arg18 : memref<!tpu.dma_semaphore, #tpu.memory_space<semaphore_mem>>)
      %add3A_299 = arith.constant 4 : i32
      %add3A_300 = arith.addi %mul3A_155, %add3A_299 : i32
      %sub3A_301 = arith.constant 5 : i32
      %sub3A_302 = arith.subi %add3A_300, %sub3A_301 : i32
      %add3A_303 = arith.addi %mul3A_2, %sub3A_302 : i32
      %mul3A_304 = arith.constant 64 : i32
      %mul3A_305 = arith.muli %add3A_303, %mul3A_304 : i32
      %multiple_of3A_306 = tpu.assume_multiple %mul3A_305, 64 : i32
      %dma_wait3A_307 = arith.constant 0 : i32
      %dma_wait3A_308 = tpu.memref_slice %arg4[%multiple_of3A_306, %dma_wait3A_307] : memref<409600x128xf32, #tpu.memory_space<hbm>> -> memref<64x128xf32, #tpu.memory_space<hbm>>
      %dma_wait3A_309 = arith.constant 0 : i32
      %dma_wait3A_310 = tpu.memref_slice %arg4[%multiple_of3A_306, %dma_wait3A_309] : memref<409600x128xf32, #tpu.memory_space<hbm>> -> memref<64x128xf32, #tpu.memory_space<hbm>>
      tpu.wait_dma2 semaphore(%arg21 : memref<!tpu.dma_semaphore, #tpu.memory_space<semaphore_mem>>) src(%arg11 : memref<64x128xf32, #tpu.memory_space<vmem>>) dst(%dma_wait3A_310 : memref<64x128xf32, #tpu.memory_space<hbm>>)
      %mul3A_311 = arith.constant 64 : i32
      %mul3A_312 = arith.muli %add3A_300, %mul3A_311 : i32
      %dma_start3A_313 = tpu.memref_slice %arg6[%mul3A_312] : memref<12800xi32, #tpu.memory_space<vmem>> -> memref<64xi32, #tpu.memory_space<vmem>>
      %dma_start3A_314 = arith.constant 0 : i32
      %dma_start3A_315 = arith.constant 0 : i32
      %dma_start3A_316 = tpu.memref_slice %arg5[%dma_start3A_314, %dma_start3A_315] : memref<8064x128xf32, #tpu.memory_space<vmem_shared>> -> memref<8064x128xf32, #tpu.memory_space<vmem_shared>>
      tpu.enqueue_indirect_dma source(%dma_start3A_316 : memref<8064x128xf32, #tpu.memory_space<vmem_shared>>) target(%arg11 : memref<64x128xf32, #tpu.memory_space<vmem>>) offsets(%dma_start3A_313 : memref<64xi32, #tpu.memory_space<vmem>>) semaphore(%arg16 : memref<!tpu.dma_semaphore, #tpu.memory_space<semaphore_mem>>)
      %sub3A_317 = arith.constant 2 : i32
      %sub3A_318 = arith.subi %add3A_300, %sub3A_317 : i32
      %mul3A_319 = arith.constant 64 : i32
      %mul3A_320 = arith.muli %sub3A_318, %mul3A_319 : i32
      %dma_wait3A_321 = tpu.memref_slice %arg6[%mul3A_320] : memref<12800xi32, #tpu.memory_space<vmem>> -> memref<64xi32, #tpu.memory_space<vmem>>
      %dma_wait3A_322 = arith.constant 0 : i32
      %dma_wait3A_323 = arith.constant 0 : i32
      %dma_wait3A_324 = tpu.memref_slice %arg5[%dma_wait3A_322, %dma_wait3A_323] : memref<8064x128xf32, #tpu.memory_space<vmem_shared>> -> memref<8064x128xf32, #tpu.memory_space<vmem_shared>>
      tpu.wait_indirect_dma semaphore(%arg14 : memref<!tpu.dma_semaphore, #tpu.memory_space<semaphore_mem>>) src(%dma_wait3A_324 : memref<8064x128xf32, #tpu.memory_space<vmem_shared>>) dst(%arg9 : memref<64x128xf32, #tpu.memory_space<vmem>>)
      %sub3A_325 = arith.constant 2 : i32
      %sub3A_326 = arith.subi %add3A_300, %sub3A_325 : i32
      %add3A_327 = arith.addi %mul3A_2, %sub3A_326 : i32
      %mul3A_328 = arith.constant 64 : i32
      %mul3A_329 = arith.muli %add3A_327, %mul3A_328 : i32
      %multiple_of3A_330 = tpu.assume_multiple %mul3A_329, 64 : i32
      %dma_start3A_331 = arith.constant 0 : i32
      %dma_start3A_332 = tpu.memref_slice %arg4[%multiple_of3A_330, %dma_start3A_331] : memref<409600x128xf32, #tpu.memory_space<hbm>> -> memref<64x128xf32, #tpu.memory_space<hbm>>
      %dma_start3A_333 = arith.constant 0 : i32
      %dma_start3A_334 = tpu.memref_slice %arg4[%multiple_of3A_330, %dma_start3A_333] : memref<409600x128xf32, #tpu.memory_space<hbm>> -> memref<64x128xf32, #tpu.memory_space<hbm>>
      tpu.enqueue_dma source(%arg9 : memref<64x128xf32, #tpu.memory_space<vmem>>) target(%dma_start3A_334 : memref<64x128xf32, #tpu.memory_space<hbm>>) target_semaphore(%arg19 : memref<!tpu.dma_semaphore, #tpu.memory_space<semaphore_mem>>)
    }
    %scan3A_79 = arith.constant 39 : i32
    %dma_wait3A_80 = arith.constant 12672 : i32
    %dma_wait3A_81 = tpu.memref_slice %arg6[%dma_wait3A_80] : memref<12800xi32, #tpu.memory_space<vmem>> -> memref<64xi32, #tpu.memory_space<vmem>>
    %dma_wait3A_82 = arith.constant 0 : i32
    %dma_wait3A_83 = arith.constant 0 : i32
    %dma_wait3A_84 = tpu.memref_slice %arg5[%dma_wait3A_82, %dma_wait3A_83] : memref<8064x128xf32, #tpu.memory_space<vmem_shared>> -> memref<8064x128xf32, #tpu.memory_space<vmem_shared>>
    tpu.wait_indirect_dma semaphore(%arg15 : memref<!tpu.dma_semaphore, #tpu.memory_space<semaphore_mem>>) src(%dma_wait3A_84 : memref<8064x128xf32, #tpu.memory_space<vmem_shared>>) dst(%arg10 : memref<64x128xf32, #tpu.memory_space<vmem>>)
    %add3A_85 = arith.constant 198 : i32
    %add3A_86 = arith.addi %mul3A_2, %add3A_85 : i32
    %mul3A_87 = arith.constant 64 : i32
    %mul3A_88 = arith.muli %add3A_86, %mul3A_87 : i32
    %multiple_of3A_89 = tpu.assume_multiple %mul3A_88, 64 : i32
    %dma_start3A_90 = arith.constant 0 : i32
    %dma_start3A_91 = tpu.memref_slice %arg4[%multiple_of3A_89, %dma_start3A_90] : memref<409600x128xf32, #tpu.memory_space<hbm>> -> memref<64x128xf32, #tpu.memory_space<hbm>>
    %dma_start3A_92 = arith.constant 0 : i32
    %dma_start3A_93 = tpu.memref_slice %arg4[%multiple_of3A_89, %dma_start3A_92] : memref<409600x128xf32, #tpu.memory_space<hbm>> -> memref<64x128xf32, #tpu.memory_space<hbm>>
    tpu.enqueue_dma source(%arg10 : memref<64x128xf32, #tpu.memory_space<vmem>>) target(%dma_start3A_93 : memref<64x128xf32, #tpu.memory_space<hbm>>) target_semaphore(%arg20 : memref<!tpu.dma_semaphore, #tpu.memory_space<semaphore_mem>>)
    %dma_wait3A_94 = arith.constant 12736 : i32
    %dma_wait3A_95 = tpu.memref_slice %arg6[%dma_wait3A_94] : memref<12800xi32, #tpu.memory_space<vmem>> -> memref<64xi32, #tpu.memory_space<vmem>>
    %dma_wait3A_96 = arith.constant 0 : i32
    %dma_wait3A_97 = arith.constant 0 : i32
    %dma_wait3A_98 = tpu.memref_slice %arg5[%dma_wait3A_96, %dma_wait3A_97] : memref<8064x128xf32, #tpu.memory_space<vmem_shared>> -> memref<8064x128xf32, #tpu.memory_space<vmem_shared>>
    tpu.wait_indirect_dma semaphore(%arg16 : memref<!tpu.dma_semaphore, #tpu.memory_space<semaphore_mem>>) src(%dma_wait3A_98 : memref<8064x128xf32, #tpu.memory_space<vmem_shared>>) dst(%arg11 : memref<64x128xf32, #tpu.memory_space<vmem>>)
    %add3A_99 = arith.constant 199 : i32
    %add3A_100 = arith.addi %mul3A_2, %add3A_99 : i32
    %mul3A_101 = arith.constant 64 : i32
    %mul3A_102 = arith.muli %add3A_100, %mul3A_101 : i32
    %multiple_of3A_103 = tpu.assume_multiple %mul3A_102, 64 : i32
    %dma_start3A_104 = arith.constant 0 : i32
    %dma_start3A_105 = tpu.memref_slice %arg4[%multiple_of3A_103, %dma_start3A_104] : memref<409600x128xf32, #tpu.memory_space<hbm>> -> memref<64x128xf32, #tpu.memory_space<hbm>>
    %dma_start3A_106 = arith.constant 0 : i32
    %dma_start3A_107 = tpu.memref_slice %arg4[%multiple_of3A_103, %dma_start3A_106] : memref<409600x128xf32, #tpu.memory_space<hbm>> -> memref<64x128xf32, #tpu.memory_space<hbm>>
    tpu.enqueue_dma source(%arg11 : memref<64x128xf32, #tpu.memory_space<vmem>>) target(%dma_start3A_107 : memref<64x128xf32, #tpu.memory_space<hbm>>) target_semaphore(%arg21 : memref<!tpu.dma_semaphore, #tpu.memory_space<semaphore_mem>>)
    %add3A_108 = arith.constant 195 : i32
    %add3A_109 = arith.addi %mul3A_2, %add3A_108 : i32
    %mul3A_110 = arith.constant 64 : i32
    %mul3A_111 = arith.muli %add3A_109, %mul3A_110 : i32
    %multiple_of3A_112 = tpu.assume_multiple %mul3A_111, 64 : i32
    %dma_wait3A_113 = arith.constant 0 : i32
    %dma_wait3A_114 = tpu.memref_slice %arg4[%multiple_of3A_112, %dma_wait3A_113] : memref<409600x128xf32, #tpu.memory_space<hbm>> -> memref<64x128xf32, #tpu.memory_space<hbm>>
    %dma_wait3A_115 = arith.constant 0 : i32
    %dma_wait3A_116 = tpu.memref_slice %arg4[%multiple_of3A_112, %dma_wait3A_115] : memref<409600x128xf32, #tpu.memory_space<hbm>> -> memref<64x128xf32, #tpu.memory_space<hbm>>
    tpu.wait_dma2 semaphore(%arg17 : memref<!tpu.dma_semaphore, #tpu.memory_space<semaphore_mem>>) src(%arg7 : memref<64x128xf32, #tpu.memory_space<vmem>>) dst(%dma_wait3A_116 : memref<64x128xf32, #tpu.memory_space<hbm>>)
    %add3A_117 = arith.constant 196 : i32
    %add3A_118 = arith.addi %mul3A_2, %add3A_117 : i32
    %mul3A_119 = arith.constant 64 : i32
    %mul3A_120 = arith.muli %add3A_118, %mul3A_119 : i32
    %multiple_of3A_121 = tpu.assume_multiple %mul3A_120, 64 : i32
    %dma_wait3A_122 = arith.constant 0 : i32
    %dma_wait3A_123 = tpu.memref_slice %arg4[%multiple_of3A_121, %dma_wait3A_122] : memref<409600x128xf32, #tpu.memory_space<hbm>> -> memref<64x128xf32, #tpu.memory_space<hbm>>
    %dma_wait3A_124 = arith.constant 0 : i32
    %dma_wait3A_125 = tpu.memref_slice %arg4[%multiple_of3A_121, %dma_wait3A_124] : memref<409600x128xf32, #tpu.memory_space<hbm>> -> memref<64x128xf32, #tpu.memory_space<hbm>>
    tpu.wait_dma2 semaphore(%arg18 : memref<!tpu.dma_semaphore, #tpu.memory_space<semaphore_mem>>) src(%arg8 : memref<64x128xf32, #tpu.memory_space<vmem>>) dst(%dma_wait3A_125 : memref<64x128xf32, #tpu.memory_space<hbm>>)
    %add3A_126 = arith.constant 197 : i32
    %add3A_127 = arith.addi %mul3A_2, %add3A_126 : i32
    %mul3A_128 = arith.constant 64 : i32
    %mul3A_129 = arith.muli %add3A_127, %mul3A_128 : i32
    %multiple_of3A_130 = tpu.assume_multiple %mul3A_129, 64 : i32
    %dma_wait3A_131 = arith.constant 0 : i32
    %dma_wait3A_132 = tpu.memref_slice %arg4[%multiple_of3A_130, %dma_wait3A_131] : memref<409600x128xf32, #tpu.memory_space<hbm>> -> memref<64x128xf32, #tpu.memory_space<hbm>>
    %dma_wait3A_133 = arith.constant 0 : i32
    %dma_wait3A_134 = tpu.memref_slice %arg4[%multiple_of3A_130, %dma_wait3A_133] : memref<409600x128xf32, #tpu.memory_space<hbm>> -> memref<64x128xf32, #tpu.memory_space<hbm>>
    tpu.wait_dma2 semaphore(%arg19 : memref<!tpu.dma_semaphore, #tpu.memory_space<semaphore_mem>>) src(%arg9 : memref<64x128xf32, #tpu.memory_space<vmem>>) dst(%dma_wait3A_134 : memref<64x128xf32, #tpu.memory_space<hbm>>)
    %add3A_135 = arith.constant 198 : i32
    %add3A_136 = arith.addi %mul3A_2, %add3A_135 : i32
    %mul3A_137 = arith.constant 64 : i32
    %mul3A_138 = arith.muli %add3A_136, %mul3A_137 : i32
    %multiple_of3A_139 = tpu.assume_multiple %mul3A_138, 64 : i32
    %dma_wait3A_140 = arith.constant 0 : i32
    %dma_wait3A_141 = tpu.memref_slice %arg4[%multiple_of3A_139, %dma_wait3A_140] : memref<409600x128xf32, #tpu.memory_space<hbm>> -> memref<64x128xf32, #tpu.memory_space<hbm>>
    %dma_wait3A_142 = arith.constant 0 : i32
    %dma_wait3A_143 = tpu.memref_slice %arg4[%multiple_of3A_139, %dma_wait3A_142] : memref<409600x128xf32, #tpu.memory_space<hbm>> -> memref<64x128xf32, #tpu.memory_space<hbm>>
    tpu.wait_dma2 semaphore(%arg20 : memref<!tpu.dma_semaphore, #tpu.memory_space<semaphore_mem>>) src(%arg10 : memref<64x128xf32, #tpu.memory_space<vmem>>) dst(%dma_wait3A_143 : memref<64x128xf32, #tpu.memory_space<hbm>>)
    %add3A_144 = arith.constant 199 : i32
    %add3A_145 = arith.addi %mul3A_2, %add3A_144 : i32
    %mul3A_146 = arith.constant 64 : i32
    %mul3A_147 = arith.muli %add3A_145, %mul3A_146 : i32
    %multiple_of3A_148 = tpu.assume_multiple %mul3A_147, 64 : i32
    %dma_wait3A_149 = arith.constant 0 : i32
    %dma_wait3A_150 = tpu.memref_slice %arg4[%multiple_of3A_148, %dma_wait3A_149] : memref<409600x128xf32, #tpu.memory_space<hbm>> -> memref<64x128xf32, #tpu.memory_space<hbm>>
    %dma_wait3A_151 = arith.constant 0 : i32
    %dma_wait3A_152 = tpu.memref_slice %arg4[%multiple_of3A_148, %dma_wait3A_151] : memref<409600x128xf32, #tpu.memory_space<hbm>> -> memref<64x128xf32, #tpu.memory_space<hbm>>
    tpu.wait_dma2 semaphore(%arg21 : memref<!tpu.dma_semaphore, #tpu.memory_space<semaphore_mem>>) src(%arg11 : memref<64x128xf32, #tpu.memory_space<vmem>>) dst(%dma_wait3A_152 : memref<64x128xf32, #tpu.memory_space<hbm>>)
    return
  }
}

</mosaic_0001>

<sc_bundles>
// kernel: kernel.3.cloned.1.call-start
scs
__scs_entry_jumppad:
0x0: {  	(pc) =	sbr.rel $0x88, $3  }
0x1: {  	(tag) =	ssettag $0x0;
	lr =	simm.s32 $0x1  }
0x2: {  	[smem:$0x3F9F] =	sst lr;
	_ =	strace $0xD0000000  }
0x3: {  	_ = 	snop  }
0x4: {  	_ = 	snop  }
0x5: {  	_ = 	snop  }
0x6: {  	_ = 	snop  }
0x7: {  	_ = 	snop  }
__scs_overlays_trampoline_lowered:
0x8: {  	[smem:$0x3FAE] =	sst s0  }
0x9: {  	[smem:$0x3FAF] =	sst s1  }
0xa: {  	[smem:$0x3FB0] =	sst s2  }
0xb: {  	[smem:$0x3FB1] =	sst s3  }
0xc: {  	[smem:$0x3FB2] =	sst s4  }
0xd: {  	[smem:$0x3FB3] =	sst s5  }
0xe: {  	[smem:$0x3FB4] =	sst s6  }
0xf: {  	[smem:$0x3FB5] =	sst s7  }
0x10: {  	[smem:$0x3FB6] =	sst s8  }
0x11: {  	[smem:$0x3FB7] =	sst s9;
	s0 =	simm.s32 @!p0 $0x0  }
0x12: {  	s1 =	sld [smem:$0x3F9D];
	s0 =	simm.s32 @p0 $0x1  }
0x13: {  	[smem:$0x3FB8] =	sst s0;
	s0 =	simm.s32 @!p1 $0x0  }
0x14: {  	s2 =	sld [smem:$0x3F9C];
	s0 =	simm.s32 @p1 $0x1  }
0x15: {  	[smem:$0x3FB9] =	sst s0;
	s0 =	simm.s32 @!p2 $0x0  }
0x16: {  	s3 =	sld [smem:$0x3FDB];
	s0 =	simm.s32 @p2 $0x1  }
0x17: {  	s4 =	simm.s32 $0x1BF5;
	[smem:$0x3FBB] =	sst s0  }
0x18: {  	s0 =	sld [smem:$0x3F9E];
	_ =	swait.ge [sflag:s4], $0x0  }
0x19: {  	s7 =	sld [smem:$0x3F9F]  }
0x1a: {  	s8 =	sadd.s32 $0xFFFFE003, lr  }
0x1b: {  	s9 =	sadd.s32 $0xFFFFFEF7, lr;
	s5 =	simm.s32 $0xFFFFFFFF;
	p2 =	slt.u32 s8, $0xFFFFF086  }
0x1c: {  	p1 =	slt.u32 s9, $0xF7A;
	s5 =	simm.s32 @!p2 $0x0  }
0x1d: {  	s5 =	simm.s32 @p1 $0x1;
	p0 =	seq.s32 s7, s2  }
0x1e: {  	s7 =	smul.u32 @!p0 $0xF7A, s2;
	p2 =	seq.s32 @!p0 s5, $0x0  }
0x1f: {  	s9 =	smul.u32 $0xF7A, s1;
	s8 =	simm.s32 @!p0 $0x1BF5;
	p2 =	por !p2, p0  }
0x20: {  	[sflag:s8] =	ssyncset.s32 @!p0 $0xFFFFF086;
	s6 =	sadd.s32 @!p0 s3, s7;
	s7 =	simm.s32 @!p0 $0x108  }
0x21: {  	s3 =	sadd.s32 s3, s9;
	s6 =	sadd.s32 @!p0 $0x88, s6;
	s7 =	simm.s32 @p2 $0x1082  }
0x22: {  	[simem:s7], [sflag:s8] =	dma.local @!p0 [hbm:s6], $0xF7A  }
0x23: {  	s9 =	sor.u32 $0xD0000000, s2;
	s6 =	simm.s32 $0x108;
	_ =	swait.ge @!p0 [sflag:s8], $0x0  }
0x24: {  	s3 =	sadd.s32 $0x88, s3;
	s6 =	simm.s32 @!p1 $0x1082;
	[sflag:s4] =	ssyncset.s32 $0xFFFFF086  }
0x25: {  	[simem:s6], [sflag:s4] =	dma.local [hbm:s3], $0xF7A  }
0x26: {  	[smem:$0x3F9F] =	sst s1;
	(tag) =	ssettag s2;
	_ =	strace s9  }
0x27: {  	s1 =	sld [smem:$0x3FAF]  }
0x28: {  	s2 =	sld [smem:$0x3FB0]  }
0x29: {  	s4 =	sld [smem:$0x3FB2]  }
0x2a: {  	p0 =	seq.s32 s5, $0x0;
	s5 =	sld [smem:$0x3FB3]  }
0x2b: {  	s6 =	sld [smem:$0x3FB4]  }
0x2c: {  	s7 =	sld [smem:$0x3FB5]  }
0x2d: {  	s3 =	simm.s32 $0x108;
	s8 =	sld [smem:$0x3FB6]  }
0x2e: {  	s3 =	simm.s32 @!p0 $0x1082;
	s9 =	sld [smem:$0x3FB7]  }
0x2f: {  	lr =	sadd.s32 s0, s3;
	s0 =	sld [smem:$0x3FAE]  }
0x30: {  	s3 =	sld [smem:$0x3FB1]  }
0x31: {  	[smem:$0x3FBA] =	sst s10  }
0x32: {  	s10 =	sld [smem:$0x3FB8];
	_ =	sdelay $0x3  }
0x33: {  	p0 =	seq.s32 s10, $0x1;
	s10 =	sld [smem:$0x3FBA];
	_ =	sdelay $0x3  }
0x34: {  	[smem:$0x3FBA] =	sst s10  }
0x35: {  	s10 =	sld [smem:$0x3FB9];
	_ =	sdelay $0x3  }
0x36: {  	p1 =	seq.s32 s10, $0x1;
	s10 =	sld [smem:$0x3FBA];
	_ =	sdelay $0x3  }
0x37: {  	[smem:$0x3FBA] =	sst s10  }
0x38: {  	s10 =	sld [smem:$0x3FBB]  }
0x39: {  	_ = 	snop;
	(pc) =	sbr.ind lr, $3  }
0x3a: {  	_ = 	snop  }
0x3b: {  	_ = 	snop  }
0x3c: {  	p2 =	seq.s32 s10, $0x1;
	s10 =	sld [smem:$0x3FBA]  }
0x3d: {  	_ =	shalt  }
0x3e: {  	_ =	shalt  }
0x3f: {  	_ =	shalt  }
0x40: {  	_ =	shalt  }
0x41: {  	_ =	shalt  }
0x42: {  	_ =	shalt  }
0x43: {  	_ =	shalt  }
0x44: {  	_ =	shalt  }
0x45: {  	_ =	shalt  }
0x46: {  	_ =	shalt  }
0x47: {  	_ =	shalt  }
0x48: {  	_ =	shalt  }
0x49: {  	_ =	shalt  }
0x4a: {  	_ =	shalt  }
0x4b: {  	_ =	shalt  }
0x4c: {  	_ =	shalt  }
0x4d: {  	_ =	shalt  }
0x4e: {  	_ =	shalt  }
0x4f: {  	_ =	shalt  }
0x50: {  	_ =	shalt  }
0x51: {  	_ =	shalt  }
0x52: {  	_ =	shalt  }
0x53: {  	_ =	shalt  }
0x54: {  	_ =	shalt  }
0x55: {  	_ =	shalt  }
0x56: {  	_ =	shalt  }
0x57: {  	_ =	shalt  }
0x58: {  	_ =	shalt  }
0x59: {  	_ =	shalt  }
0x5a: {  	_ =	shalt  }
0x5b: {  	_ =	shalt  }
0x5c: {  	_ =	shalt  }
0x5d: {  	_ =	shalt  }
0x5e: {  	_ =	shalt  }
0x5f: {  	_ =	shalt  }
0x60: {  	_ =	shalt  }
0x61: {  	_ =	shalt  }
0x62: {  	_ =	shalt  }
0x63: {  	_ =	shalt  }
0x64: {  	_ =	shalt  }
0x65: {  	_ =	shalt  }
0x66: {  	_ =	shalt  }
0x67: {  	_ =	shalt  }
0x68: {  	_ =	shalt  }
0x69: {  	_ =	shalt  }
0x6a: {  	_ =	shalt  }
0x6b: {  	_ =	shalt  }
0x6c: {  	_ =	shalt  }
0x6d: {  	_ =	shalt  }
0x6e: {  	_ =	shalt  }
0x6f: {  	_ =	shalt  }
0x70: {  	_ =	shalt  }
0x71: {  	_ =	shalt  }
0x72: {  	_ =	shalt  }
0x73: {  	_ =	shalt  }
0x74: {  	_ =	shalt  }
0x75: {  	_ =	shalt  }
0x76: {  	_ =	shalt  }
0x77: {  	_ =	shalt  }
0x78: {  	_ =	shalt  }
0x79: {  	_ =	shalt  }
0x7a: {  	_ =	shalt  }
0x7b: {  	_ =	shalt  }
0x7c: {  	_ =	shalt  }
0x7d: {  	_ =	shalt  }
0x7e: {  	_ =	shalt  }
0x7f: {  	_ =	shalt  }
0x80: {  	_ =	shalt  }
0x81: {  	_ =	shalt  }
0x82: {  	_ =	shalt  }
0x83: {  	_ =	shalt  }
0x84: {  	_ =	shalt  }
0x85: {  	_ =	shalt  }
0x86: {  	_ =	shalt  }
0x87: {  	_ =	shalt  }
.Lfunc_end0:
.L_simem_size_0:
called_computation_lowered:
.L_overlay_start_0:
0x88: {  	s2 =	sld [smem:$0x3FD9]  }
0x89: {  	s3 =	sld [smem:$0x3FFE];
	_ =	sdelay $0x1  }
0x8a: {  	s1 =	srdreg.scid  }
0x8b: {  	s0 =	sand.u32 $0x1, s1  }
0x8c: {  	s17 =	sshll.u32 s0, $0xA;
	s2 =	sadd.s32 s3, s2  }
0x8d: {  	s2 =	sadd.s32 s2, s17  }
0x8e: {  	[smem:$0x3FC6] =	sst s2  }
0x8f: {  	_ = 	snop  }
0x90: {  	s2 =	sld [smem:$0x3FD0];
	(tm) =	ssettm $0x1  }
0x91: {  	s18 =	sld [smem:$0x3FFB];
	_ =	sdelay $0x3  }
0x92: {  	_ =	strace s18  }
0x93: {  	s3 =	sld [smem:$0x3FFC];
	_ =	sdelay $0x3  }
0x94: {  	_ =	strace s3  }
0x95: {  	s3 =	sld [smem:$0x3FFD];
	_ =	sdelay $0x3  }
0x96: {  	_ =	strace s3  }
0x97: {  	_ =	strace $0x8FFFFFFF  }
0x98: {  	s19 =	sld [smem:$0x3FDB];
	_ =	sdelay $0x1  }
0x99: {  	s4 =	simm.s32 $_scs_section_size  }
0x9a: {  	s5 =	simm.s32 $_size__tile_overlayer_lowered;
	s6 =	simm.s32 $_tile_overlayer_lowered  }
0x9b: {  	s22 =	simm.s32 $0x1BFF;
	s21 =	sshll.u32 s6, $0x1;
	s3 =	sadd.s32 s4, s19  }
0x9c: {  	s7 =	simm.s32 $0x0;
	s20 =	sshll.u32 s5, $0x1;
	s5 =	sadd.s32 s21, s3  }
0x9d: {  	[timem:s7], [sflag:s22] =	dma.local [hbm:s5], s20  }
0x9e: {  	_ =	swait.ge [sflag:s22], s20  }
0x9f: {  	s4 =	ssub.s32 $0x0, s20;
	[sflag:s22] =	ssyncset.done $0x0  }
0xa0: {  	[sflag:s22] =	ssyncadd.s32 s4;
	_ =	sdelay $0x1  }
0xa1: {  	s23 =	simm.s32 $0x1B8B  }
0xa2: {  	_ =	swait.ge [sflag:s23], $0x1  }
0xa3: {  	[sflag:s23] =	ssyncset.done $0x0  }
0xa4: {  	s25 =	simm.s32 $0x1B8E;
	s24 =	sld [smem:$0x3FFE];
	[sflag:s23] =	ssyncadd.s32 $0xFFFFFFFF  }
0xa5: {  	s26 =	simm.s32 $execute0_lowered;
	[smem:$0x3FD2] =	sst s25  }
0xa6: {  	s5 =	sshll.u32 s26, $0x1;
	_ =	strace $0x80000046;
	[dreg:$0x1] =	wrdreg $0xFFFFFFFF  }
0xa7: {  	s28 =	simm.s32 $_size_execute0_lowered;
	s3 =	sadd.s32 s3, s5;
	[dreg:$0x0] =	wrdreg $0x0  }
0xa8: {  	s5 =	sshll.u32 s28, $0x1;
	[dreg:$0x2] =	wrdreg s3  }
0xa9: {  	[dreg:$0x3] =	wrdreg s5  }
0xaa: {  	[dreg:$0x4] =	wrdreg $0xC0  }
0xab: {  	_ =	task [dreg:s7], $0x5FFFF  }
0xac: {  	[dreg:$0x1] =	wrdreg $0xFFFFFFFF  }
0xad: {  	[dreg:$0x0] =	wrdreg $0x60  }
0xae: {  	[dreg:$0x2] =	wrdreg s24  }
0xaf: {  	[dreg:$0x3] =	wrdreg s2  }
0xb0: {  	[dreg:$0x4] =	wrdreg $0x0  }
0xb1: {  	[dreg:$0x5] =	wrdreg $0x9  }
0xb2: {  	_ =	task.clear_ibuf [dreg:s7], $0x6FFFF;
	_ =	strace $0x90000046  }
0xb3: {  	s29 =	simm.s32 $0x9;
	_ =	strace $0x80000048  }
0xb4: {  	_ =	swait.ge [sflag:s29], $0x1  }
0xb5: {  	[sflag:s29] =	ssyncadd.s32 $0xFFFFFFFF  }
0xb6: {  	_ =	strace $0x90000048  }
0xb7: {  	_ =	sfence  }
0xb8: {  	s30 =	sld [smem:$0x0];
	_ =	sdelay $0x2  }
0xb9: {  	s31 =	sshll.u32 s1, $0xD;
	s1 =	sshrl.u32 s1, $0x2  }
0xba: {  	s3 =	sand.u32 $0x4000, s31;
	s1 =	sadd.s32 s1, s30  }
0xbb: {  	s0 =	sor.u32 s3, s0;
	s1 =	sshll.u32 s1, $0x11  }
0xbc: {  	s0 =	sor.u32 s1, s0  }
0xbd: {  	s0 =	sadd.s32 $0x8F2B, s0  }
0xbe: {  	[sflag:s0] =	ssyncadd.remote.s32 $0x1  }
0xbf: {  	_ =	sfence.sel $0xFFFF  }
0xc0: {  	[dreg:$0x0] =	wrdreg $0xFFFFFFFF;
	(pc) =	sbr.abs _section_cstart, $3  }
0xc1: {  	[dreg:$0x1] =	wrdreg $0xFFFFFFFF  }
0xc2: {  	_ =	task.clear_ibuf [dreg:s7], $0x2FFFF;
	_ =	strace $0x9FFFFFFF  }
0xc3: {  	(tm) =	ssettm $0x7FFFFFFF  }
tec
execute0_lowered:
.L_overlay_start_1:
0x0: {  	(tag) =	ssettag $0x1  }
0x1: {  	s0 =	rddreg [dreg:$0x0]  }
0x2: {  	s1 =	rddreg [dreg:$0x1]  }
0x3: {  	s2 =	rddreg [dreg:$0x2]  }
0x4: {  	s11 =	stileid.u32;
	s3 =	srdreg.scid;
	s15 =	simm.s32 $0xB  }
0x5: {  	s16 =	simm.s32 $0xFC00;
	s17 =	simm.s32 $0x40;
	s18 =	simm.s32 $0x12E00  }
0x6: {  	s29 =	simm.s32 $0x1AE00;
	s30 =	simm.s32 $0x3;
	s31 =	simm.s32 $0x6  }
0x7: {  	s28 =	simm.s32 $0xA;
	s4 =	sand.u32 $0x1, s3;
	s6 =	smul.u32 $0x1F80, s11  }
0x8: {  	s5 =	sshll.u32 s11, $0x1;
	s3 =	simm.s32 $0x0;
	s8 =	smul.u32 $0x3F000, s11  }
0x9: {  	s21 =	smul.u32 $0x190, s11;
	s22 =	sshll.u32 s11, $0x6;
	s5 =	sor.u32 s4, s5  }
0xa: {  	[smem:$0x7FF] =	sst s3;
	s9 =	ssub.s32 $0x2, s4;
	s4 =	smul.u32 $0xC8, s4  }
0xb: {  	s23 =	sor.u32 $0x1C0B, s22;
	s22 =	simm.s32 $0x16E00;
	s7 =	smul.u32 $0x640, s5  }
0xc: {  	_ =	strace $0x80000047;
	s6 =	sadd.s32 s6, s0;
	s10 =	smul.u32 $0x32000, s5  }
0xd: {  	s19 =	sshrl.u32 s9, $0x1;
	s5 =	smul.u32 $0x190000, s5;
	s20 =	sshrl.u32 s8, $0x2  }
0xe: {  	[dreg:$0x5] =	wrdreg s23;
	s23 =	simm.s32 $0x1;
	s12 =	ssub.s32 s9, s19  }
0xf: {  	s14 =	sadd.s32 s20, s2;
	s6 =	sadd.s32 $0xCE00, s6;
	s4 =	sadd.s32 s4, s21  }
0x10: {  	s20 =	simm.s32 $0x14E00;
	s19 =	simm.s32 $0x5;
	s21 =	simm.s32 $0x8  }
0x11: {  	s0 =	sadd.s32 s7, s0;
	[dreg:$0x4] =	wrdreg s6;
	s7 =	sadd.s32 s1, s10  }
0x12: {  	s24 =	sshrl.u32 s5, $0x3;
	s4 =	sshll.u32 s4, $0xA;
	s0 =	sadd.s32 $0x600, s0  }
0x13: {  	s12 =	smax.u32 s12, $0x1;
	s25 =	sadd.s32 $0x400, s7;
	[dreg:$0x6] =	wrdreg s0  }
0x14: {  	s14 =	sshrl.u32 s14, $0x3;
	s26 =	sadd.s32 $0x800, s7;
	[dreg:$0x7] =	wrdreg s25  }
0x15: {  	s0 =	sadd.s32 s1, s24;
	[dreg:$0x8] =	wrdreg s26;
	s1 =	sadd.s32 s4, s1  }
0x16: {  	s25 =	simm.s32 $0x18E00;
	s26 =	simm.s32 $0x2;
	s24 =	simm.s32 $0x9  }
0x17: {  	s4 =	simm.s32 $0x0;
	s10 =	sadd.s32 $0x31800, s0;
	s11 =	sadd.s32 $0x31C00, s0  }
0x18: {  	s13 =	sadd.s32 $0x1000, s1;
	s0 =	simm.s32 $0x4;
	s1 =	simm.s32 $0x7  }
.LBB2_1:
0x19: {  	s5 =	rddreg [dreg:$0x4]  }
0x1a: {  	s6 =	rddreg [dreg:$0x5]  }
0x1b: {  	[spmem:s14], [sflag:s6] =	dma.local [hbm:s5], $0x1F80  }
0x1c: {  	_ =	swait.ge [sflag:s15], $0x1F80  }
0x1d: {  	[sflag:s15] =	ssyncset.done $0x0  }
0x1e: {  	s6 =	rddreg [dreg:$0x6];
	[sflag:s15] =	ssyncadd.s32 $0xFFFFE080  }
0x1f: {  	[tilespmem:s16], [sflag:$0xB] =	stream.linear.gather [hbm4b:s6+s3], $0x3200, $0x38;
	[tilespmem:$0x1CE00] =	vst v63  }
0x20: {  	_ =	swait.ge [sflag:s15], $0x3200  }
0x21: {  	[sflag:s15] =	ssyncset.done $0x0  }
0x22: {  	[sflag:s15] =	ssyncadd.s32 $0xFFFFCE00  }
0x23: {  	[bflag:$0x0] =	sbarrier.arrive $0xFFFF  }
0x24: {  	[tilespmem:s18], [sflag:$0x1] =	stream.indirect.gather [spmem:s2], $0x80, s16, s17, $0xb8;
	[tilespmem:$0x1CE00] =	vst v63  }
0x25: {  	s8 =	simm.s32 $0xFC40  }
0x26: {  	[tilespmem:s20], [sflag:$0x2] =	stream.indirect.gather [spmem:s2], $0x80, s8, s17, $0xb8;
	[tilespmem:$0x1CE00] =	vst v63  }
0x27: {  	s9 =	simm.s32 $0xFC80  }
0x28: {  	[tilespmem:s22], [sflag:$0x3] =	stream.indirect.gather [spmem:s2], $0x80, s9, s17, $0xb8;
	[tilespmem:$0x1CE00] =	vst v63  }
0x29: {  	_ =	swait.ge [sflag:s23], $0x2000  }
0x2a: {  	[sflag:s23] =	ssyncset.done $0x0  }
0x2b: {  	[sflag:s23] =	ssyncadd.s32 $0xFFFFE000  }
0x2c: {  	[hbm4b:s7+s3] =	stream.linear.scatter [tilespmem:s18], [sflag:$0x6], $0x2000, $0x38;
	[tilespmem:$0x1CE00] =	vst v63  }
0x2d: {  	s6 =	simm.s32 $0xFCC0  }
0x2e: {  	[tilespmem:s25], [sflag:$0x4] =	stream.indirect.gather [spmem:s2], $0x80, s6, s17, $0xb8;
	[tilespmem:$0x1CE00] =	vst v63  }
0x2f: {  	_ =	swait.ge [sflag:s26], $0x2000  }
0x30: {  	[sflag:s26] =	ssyncset.done $0x0  }
0x31: {  	s8 =	rddreg [dreg:$0x7];
	[sflag:s26] =	ssyncadd.s32 $0xFFFFE000  }
0x32: {  	[hbm4b:s8+s3] =	stream.linear.scatter [tilespmem:s20], [sflag:$0x7], $0x2000, $0x38;
	[tilespmem:$0x1CE00] =	vst v63  }
0x33: {  	s9 =	simm.s32 $0xFD00  }
0x34: {  	[tilespmem:s29], [sflag:$0x5] =	stream.indirect.gather [spmem:s2], $0x80, s9, s17, $0xb8;
	[tilespmem:$0x1CE00] =	vst v63  }
0x35: {  	_ =	swait.ge [sflag:s30], $0x2000  }
0x36: {  	[sflag:s30] =	ssyncset.done $0x0  }
0x37: {  	s6 =	rddreg [dreg:$0x8];
	[sflag:s30] =	ssyncadd.s32 $0xFFFFE000  }
0x38: {  	[hbm4b:s6+s3] =	stream.linear.scatter [tilespmem:s22], [sflag:$0x8], $0x2000, $0x38;
	[tilespmem:$0x1CE00] =	vst v63  }
0x39: {  	_ =	swait.ge [sflag:s31], $0x2000  }
0x3a: {  	[sflag:s31] =	ssyncset.done $0x0  }
0x3b: {  	s8 =	simm.s32 $0xFD40;
	[sflag:s31] =	ssyncadd.s32 $0xFFFFE000  }
0x3c: {  	[tilespmem:s18], [sflag:$0x1] =	stream.indirect.gather [spmem:s2], $0x80, s8, s17, $0xb8;
	[tilespmem:$0x1CE00] =	vst v63  }
0x3d: {  	_ =	swait.ge [sflag:s0], $0x2000  }
0x3e: {  	[sflag:s0] =	ssyncset.done $0x0  }
0x3f: {  	s9 =	sadd.s32 $0xFFFFFC00, s13;
	[sflag:s0] =	ssyncadd.s32 $0xFFFFE000  }
0x40: {  	[hbm4b:s9+s3] =	stream.linear.scatter [tilespmem:s25], [sflag:$0x9], $0x2000, $0x38;
	[tilespmem:$0x1CE00] =	vst v63  }
0x41: {  	_ =	swait.ge [sflag:s1], $0x2000  }
0x42: {  	[sflag:s1] =	ssyncset.done $0x0  }
0x43: {  	s6 =	simm.s32 $0xFD80;
	[sflag:s1] =	ssyncadd.s32 $0xFFFFE000  }
0x44: {  	[tilespmem:s20], [sflag:$0x2] =	stream.indirect.gather [spmem:s2], $0x80, s6, s17, $0xb8;
	[tilespmem:$0x1CE00] =	vst v63  }
0x45: {  	_ =	swait.ge [sflag:s19], $0x2000  }
0x46: {  	[sflag:s19] =	ssyncset.done $0x0  }
0x47: {  	[sflag:s19] =	ssyncadd.s32 $0xFFFFE000  }
0x48: {  	[hbm4b:s13+s3] =	stream.linear.scatter [tilespmem:s29], [sflag:$0xA], $0x2000, $0x38;
	[tilespmem:$0x1CE00] =	vst v63  }
0x49: {  	_ =	swait.ge [sflag:s21], $0x2000  }
0x4a: {  	[sflag:s21] =	ssyncset.done $0x0  }
0x4b: {  	s8 =	simm.s32 $0xFDC0;
	[sflag:s21] =	ssyncadd.s32 $0xFFFFE000  }
0x4c: {  	[tilespmem:s22], [sflag:$0x3] =	stream.indirect.gather [spmem:s2], $0x80, s8, s17, $0xb8;
	[tilespmem:$0x1CE00] =	vst v63  }
0x4d: {  	_ =	swait.ge [sflag:s23], $0x2000  }
0x4e: {  	[sflag:s23] =	ssyncset.done $0x0  }
0x4f: {  	s9 =	sadd.s32 $0x400, s13;
	[sflag:s23] =	ssyncadd.s32 $0xFFFFE000  }
0x50: {  	[hbm4b:s9+s3] =	stream.linear.scatter [tilespmem:s18], [sflag:$0x6], $0x2000, $0x38;
	[tilespmem:$0x1CE00] =	vst v63  }
0x51: {  	_ =	swait.ge [sflag:s24], $0x2000  }
0x52: {  	[sflag:s24] =	ssyncset.done $0x0  }
0x53: {  	s6 =	simm.s32 $0xFE00;
	[sflag:s24] =	ssyncadd.s32 $0xFFFFE000  }
0x54: {  	[tilespmem:s25], [sflag:$0x4] =	stream.indirect.gather [spmem:s2], $0x80, s6, s17, $0xb8;
	[tilespmem:$0x1CE00] =	vst v63  }
0x55: {  	_ =	swait.ge [sflag:s26], $0x2000  }
0x56: {  	[sflag:s26] =	ssyncset.done $0x0  }
0x57: {  	s8 =	sadd.s32 $0x800, s13;
	[sflag:s26] =	ssyncadd.s32 $0xFFFFE000  }
0x58: {  	[hbm4b:s8+s3] =	stream.linear.scatter [tilespmem:s20], [sflag:$0x7], $0x2000, $0x38;
	[tilespmem:$0x1CE00] =	vst v63  }
0x59: {  	_ =	swait.ge [sflag:s28], $0x2000  }
0x5a: {  	[sflag:s28] =	ssyncset.done $0x0  }
0x5b: {  	s9 =	simm.s32 $0xFE40;
	[sflag:s28] =	ssyncadd.s32 $0xFFFFE000  }
0x5c: {  	[tilespmem:s29], [sflag:$0x5] =	stream.indirect.gather [spmem:s2], $0x80, s9, s17, $0xb8;
	[tilespmem:$0x1CE00] =	vst v63  }
0x5d: {  	_ =	swait.ge [sflag:s30], $0x2000  }
0x5e: {  	s5 =	simm.s32 $0x500;
	[sflag:s30] =	ssyncset.done $0x0  }
0x5f: {  	s6 =	sadd.s32 $0x1400, s13;
	s8 =	sadd.s32 $0xC00, s13;
	[sflag:s30] =	ssyncadd.s32 $0xFFFFE000  }
.LBB2_2:
0x60: {  	[hbm4b:s8+s3] =	stream.linear.scatter [tilespmem:s22], [sflag:$0x8], $0x2000, $0x38;
	[tilespmem:$0x1CE00] =	vst v63  }
0x61: {  	s8 =	smov.u32 s5  }
0x62: {  	p0 =	sne.s32 s5, $0xBE00;
	s5 =	sadd.s32 $0x500, s5;
	_ =	swait.ge [sflag:s31], $0x2000  }
0x63: {  	s8 =	sshra.s32 s8, $0x2;
	[sflag:s31] =	ssyncset.done $0x0  }
0x64: {  	s9 =	sadd.s32 $0xFD40, s8;
	[sflag:s31] =	ssyncadd.s32 $0xFFFFE000  }
0x65: {  	[tilespmem:s18], [sflag:$0x1] =	stream.indirect.gather [spmem:s2], $0x80, s9, s17, $0xb8;
	[tilespmem:$0x1CE00] =	vst v63  }
0x66: {  	_ =	swait.ge [sflag:s0], $0x2000  }
0x67: {  	[sflag:s0] =	ssyncset.done $0x0  }
0x68: {  	s9 =	sadd.s32 $0xFFFFFC00, s6;
	[sflag:s0] =	ssyncadd.s32 $0xFFFFE000  }
0x69: {  	[hbm4b:s9+s3] =	stream.linear.scatter [tilespmem:s25], [sflag:$0x9], $0x2000, $0x38;
	[tilespmem:$0x1CE00] =	vst v63  }
0x6a: {  	_ =	swait.ge [sflag:s1], $0x2000  }
0x6b: {  	[sflag:s1] =	ssyncset.done $0x0  }
0x6c: {  	s9 =	sadd.s32 $0xFD80, s8;
	[sflag:s1] =	ssyncadd.s32 $0xFFFFE000  }
0x6d: {  	[tilespmem:s20], [sflag:$0x2] =	stream.indirect.gather [spmem:s2], $0x80, s9, s17, $0xb8;
	[tilespmem:$0x1CE00] =	vst v63  }
0x6e: {  	_ =	swait.ge [sflag:s19], $0x2000  }
0x6f: {  	[sflag:s19] =	ssyncset.done $0x0  }
0x70: {  	[sflag:s19] =	ssyncadd.s32 $0xFFFFE000  }
0x71: {  	[hbm4b:s6+s3] =	stream.linear.scatter [tilespmem:s29], [sflag:$0xA], $0x2000, $0x38;
	[tilespmem:$0x1CE00] =	vst v63  }
0x72: {  	_ =	swait.ge [sflag:s21], $0x2000  }
0x73: {  	[sflag:s21] =	ssyncset.done $0x0  }
0x74: {  	s9 =	sadd.s32 $0xFDC0, s8;
	[sflag:s21] =	ssyncadd.s32 $0xFFFFE000  }
0x75: {  	[tilespmem:s22], [sflag:$0x3] =	stream.indirect.gather [spmem:s2], $0x80, s9, s17, $0xb8;
	[tilespmem:$0x1CE00] =	vst v63  }
0x76: {  	_ =	swait.ge [sflag:s23], $0x2000  }
0x77: {  	[sflag:s23] =	ssyncset.done $0x0  }
0x78: {  	s9 =	sadd.s32 $0x400, s6;
	[sflag:s23] =	ssyncadd.s32 $0xFFFFE000  }
0x79: {  	[hbm4b:s9+s3] =	stream.linear.scatter [tilespmem:s18], [sflag:$0x6], $0x2000, $0x38;
	[tilespmem:$0x1CE00] =	vst v63  }
0x7a: {  	_ =	swait.ge [sflag:s24], $0x2000  }
0x7b: {  	[sflag:s24] =	ssyncset.done $0x0  }
0x7c: {  	s9 =	sadd.s32 $0xFE00, s8;
	[sflag:s24] =	ssyncadd.s32 $0xFFFFE000  }
0x7d: {  	[tilespmem:s25], [sflag:$0x4] =	stream.indirect.gather [spmem:s2], $0x80, s9, s17, $0xb8;
	[tilespmem:$0x1CE00] =	vst v63  }
0x7e: {  	_ =	swait.ge [sflag:s26], $0x2000  }
0x7f: {  	[sflag:s26] =	ssyncset.done $0x0  }
0x80: {  	s9 =	sadd.s32 $0x800, s6;
	[sflag:s26] =	ssyncadd.s32 $0xFFFFE000  }
0x81: {  	[hbm4b:s9+s3] =	stream.linear.scatter [tilespmem:s20], [sflag:$0x7], $0x2000, $0x38;
	[tilespmem:$0x1CE00] =	vst v63  }
0x82: {  	_ =	swait.ge [sflag:s28], $0x2000  }
0x83: {  	[sflag:s28] =	ssyncset.done $0x0  }
.Ltmp0:
0x84: {  	s8 =	sadd.s32 $0xFE40, s8;
	[sflag:s28] =	ssyncadd.s32 $0xFFFFE000;
	(pc) =	sbr.rel @p0 .LBB2_2-.Ltmp0, $4  }
0x85: {  	[tilespmem:s29], [sflag:$0x5] =	stream.indirect.gather [spmem:s2], $0x80, s8, s17, $0xb8;
	[tilespmem:$0x1CE00] =	vst v63  }
0x86: {  	_ =	swait.ge [sflag:s30], $0x2000  }
0x87: {  	[sflag:s30] =	ssyncset.done $0x0  }
0x88: {  	s8 =	sadd.s32 $0xC00, s6;
	s6 =	sadd.s32 $0x1400, s6;
	[sflag:s30] =	ssyncadd.s32 $0xFFFFE000  }
0x89: {  	[hbm4b:s8+s3] =	stream.linear.scatter [tilespmem:s22], [sflag:$0x8], $0x2000, $0x38;
	[tilespmem:$0x1CE00] =	vst v63  }
0x8a: {  	_ =	swait.ge [sflag:s0], $0x2000  }
0x8b: {  	[sflag:s0] =	ssyncset.done $0x0  }
0x8c: {  	[sflag:s0] =	ssyncadd.s32 $0xFFFFE000  }
0x8d: {  	[hbm4b:s10+s3] =	stream.linear.scatter [tilespmem:s25], [sflag:$0x9], $0x2000, $0x38;
	[tilespmem:$0x1CE00] =	vst v63  }
0x8e: {  	_ =	swait.ge [sflag:s19], $0x2000  }
0x8f: {  	[sflag:s19] =	ssyncset.done $0x0  }
0x90: {  	[sflag:s19] =	ssyncadd.s32 $0xFFFFE000  }
0x91: {  	[hbm4b:s11+s3] =	stream.linear.scatter [tilespmem:s29], [sflag:$0xA], $0x2000, $0x38;
	[tilespmem:$0x1CE00] =	vst v63  }
0x92: {  	_ =	swait.ge [sflag:s31], $0x2000  }
0x93: {  	[sflag:s31] =	ssyncset.done $0x0  }
0x94: {  	[sflag:s31] =	ssyncadd.s32 $0xFFFFE000  }
0x95: {  	_ =	swait.ge [sflag:s1], $0x2000  }
0x96: {  	[sflag:s1] =	ssyncset.done $0x0  }
0x97: {  	[sflag:s1] =	ssyncadd.s32 $0xFFFFE000  }
0x98: {  	_ =	swait.ge [sflag:s21], $0x2000  }
0x99: {  	[sflag:s21] =	ssyncset.done $0x0  }
0x9a: {  	s4 =	sadd.s32 $0x1, s4;
	[sflag:s21] =	ssyncadd.s32 $0xFFFFE000  }
0x9b: {  	p0 =	sne.s32 s4, s12;
	_ =	swait.ge [sflag:s24], $0x2000  }
.Ltmp1:
0x9c: {  	[sflag:s24] =	ssyncset.done $0x0;
	(pc) =	sbr.rel @p0 .LBB2_1-.Ltmp1, $4  }
0x9d: {  	[sflag:s24] =	ssyncadd.s32 $0xFFFFE000  }
0x9e: {  	_ =	swait.ge [sflag:s28], $0x2000  }
0x9f: {  	[sflag:s28] =	ssyncset.done $0x0  }
0xa0: {  	[sflag:s28] =	ssyncadd.s32 $0xFFFFE000  }
0xa1: {  	_ =	sfence.sel $0x180000  }
0xa2: {  	[bflag:$0x0] =	sbarrier.arrive $0xFFFF  }
0xa3: {  	_ =	strace $0x90000047  }
0xa4: {  	s0 =	stileid.u32;
	[bflag:$0x2] =	sbarrier.arrive $0xFFFF  }
0xa5: {  	p0 =	sne.s32 s0, $0x0;
	s0 =	rddreg [dreg:$0x3]  }
0xa6: {  	s0 =	sadd.s32 @!p0 $0x100000, s0  }
0xa7: {  	[sflag:s0] =	ssyncadd.tile.s32 @!p0 $0x1;
	_ =	shalt  }
.Lfunc_end2:
_tile_overlayer_lowered:
.L_overlay_start_2:
0xa8: {  	(tag) =	ssettag $0x2  }
0xa9: {  	s0 =	rddreg [dreg:$0x0];
	s2 =	stileid.u32  }
0xaa: {  	s1 =	rddreg [dreg:$0x1];
	p0 =	sne.s32 s2, $0x0  }
0xab: {  	s3 =	rddreg [dreg:$0x2];
	[bflag:$0x3] =	sbarrier.arrive $0xFFFF;
	s2 =	simm.s32 @!p0 $0x1C0B  }
0xac: {  	[timem:s3], [sflag:s2] =	dma.local @!p0 [hbm:s0], s1  }
0xad: {  	s0 =	simm.s32 @!p0 $0xB  }
0xae: {  	_ =	swait.ge @!p0 [sflag:s0], s1  }
0xaf: {  	s1 =	ssub.s32 @!p0 $0x0, s1;
	[sflag:s0] =	ssyncset.done @!p0 $0x0  }
0xb0: {  	[sflag:s0] =	ssyncadd.s32 @!p0 s1  }
0xb1: {  	[bflag:$0x3] =	sbarrier.arrive $0xFFFF  }
0xb2: {  	_ =	shalt  }

</sc_bundles>
